<compile_context>
chip_gen: v7x
topology: tpu7x:2x2x1
jax: 0.10.2.dev20260603
libtpu: 0.0.44.dev20260713+nightly
codegen_flags: <defaults>
</compile_context>

<pallas_src>
import functools
import jax
import jax.numpy as jnp
from jax import lax
from jax.experimental import pallas as pl
from jax.experimental.pallas import tpu as pltpu, tpu_sc as plsc


def _sc_state0(state):
    mesh = plsc.VectorSubcoreMesh(core_axis_name="c", subcore_axis_name="s")

    @functools.partial(
        pl.kernel, mesh=mesh,
        out_type=jax.ShapeDtypeStruct((21, 128), jnp.float32),
        scratch_types=[pltpu.VMEM((21, 128), jnp.float32)],
    )
    def k(state_hbm, out_hbm, buf):
        wid = lax.axis_index("s") * 2 + lax.axis_index("c")

        @pl.when(wid == 0)
        def _():
            pltpu.sync_copy(state_hbm.at[0], buf)
            pltpu.sync_copy(buf, out_hbm)

    return k(state)

_N = 21
_F = 128
_R_STATE, _R_ADJ, _R_W1, _R_W2, _R_END = 0, 21, 42, 170, 191


def _fused_fwd(pack_ref, Wf1_ref, Wf2_ref, Wf3_ref, Wpi_ref, Wf4_ref, Wv_ref,
               b1_ref, b2_ref, bf1_ref, bf2_ref, bf3_ref, bf4_ref,
               bpi_ref, bv_ref, pi_ref, v_ref):
    x0 = pack_ref[_R_STATE:_R_ADJ, :]
    a = (pack_ref[_R_ADJ:_R_W1, 0:_N]
         + jnp.eye(_N, dtype=jnp.float32))
    deg = jnp.sum(a, axis=1, keepdims=True)
    s = jnp.where(deg > 0, jax.lax.rsqrt(deg), 0.0)

    z = s * jnp.dot(x0, pack_ref[_R_W1:_R_W2, 0:_N],
                    preferred_element_type=jnp.float32)
    x = s * jnp.dot(a, z, preferred_element_type=jnp.float32) + b1_ref[...]
    z = s * jnp.dot(x, pack_ref[_R_W2:_R_END, 0:_N],
                    preferred_element_type=jnp.float32)
    x = s * jnp.dot(a, z, preferred_element_type=jnp.float32) + b2_ref[...]

    parts = [jnp.dot(x[i:i + 1, :], Wf1_ref[i * _N:(i + 1) * _N, :],
                     preferred_element_type=jnp.float32) for i in range(_N)]
    parts.append(bf1_ref[...])
    while len(parts) > 1:
        nxt = [parts[i] + parts[i + 1] for i in range(0, len(parts) - 1, 2)]
        if len(parts) % 2:
            nxt.append(parts[-1])
        parts = nxt
    h = jnp.maximum(parts[0], 0.0)

    h = jnp.maximum(
        jnp.dot(h, Wf2_ref[...], preferred_element_type=jnp.float32)
        + bf2_ref[...], 0.0)
    vx = jnp.maximum(
        jnp.dot(h, Wf3_ref[...], preferred_element_type=jnp.float32)
        + bf3_ref[...], 0.0)
    vx = jnp.maximum(
        jnp.dot(vx, Wf4_ref[...], preferred_element_type=jnp.float32)
        + bf4_ref[...], 0.0)

    pi_ref[...] = (jnp.dot(h, Wpi_ref[...], preferred_element_type=jnp.float32)
                   + bpi_ref[...])
    v_ref[...] = (jnp.dot(vx, Wv_ref[...], preferred_element_type=jnp.float32)
                  + bv_ref[...])


def _pad128(m):
    return jnp.pad(m, ((0, 0), (0, 128 - m.shape[1])))


def kernel(state, adj, W1, b1, W2, b2, Wf1, bf1, Wf2, bf2, Wf3, bf3,
           Wf4, bf4, Wpi, bpi, Wv, bv):
    pack = jnp.concatenate([
        _sc_state0(state),
        _pad128(adj[0]),
        _pad128(W1),
        _pad128(W2),
    ], axis=0)
    args = [pack, Wf1, Wf2, Wf3, Wpi, Wf4, Wv,
            b1.reshape(1, -1), b2.reshape(1, -1), bf1.reshape(1, -1),
            bf2.reshape(1, -1), bf3.reshape(1, -1), bf4.reshape(1, -1),
            bpi.reshape(1, -1), bv.reshape(1, 1)]
    full = lambda x: pl.BlockSpec(x.shape, lambda i: tuple(0 for _ in x.shape))
    pi, v = pl.pallas_call(
        _fused_fwd,
        out_shape=(jax.ShapeDtypeStruct((1, 64), jnp.float32),
                   jax.ShapeDtypeStruct((1, 1), jnp.float32)),
        grid=(1,),
        in_specs=[full(x) for x in args],
        out_specs=(pl.BlockSpec((1, 64), lambda i: (0, 0)),
                   pl.BlockSpec((1, 1), lambda i: (0, 0))),
    )(*args)
    return pi.reshape(64), v.reshape(1)

# --- scband reference (transcript-rebuilt; emitter-appended) ---
"""Pipeline reference for scband-graph-actor-critic-network-19954418057371 (READ-ONLY COPY).

The authoritative reference and input builder live on the scoring server;
editing this copy changes nothing except your own understanding.
"""

import jax, jax.numpy as jnp
import numpy as np

B, N, F = 1024, 21, 128
FC1, FC2, NA = 1024, 512, 64

def _gcn(x, adj, W, b):
    # DenseGCNConv-style: A_hat = A + I, D^{-1/2} A_hat D^{-1/2} X W + b
    adj = adj + jnp.eye(adj.shape[-1], dtype=adj.dtype)
    deg = adj.sum(-1)
    dinv = jnp.where(deg > 0, 1.0 / jnp.sqrt(deg), 0.0)
    norm = dinv[..., :, None] * adj * dinv[..., None, :]
    return jnp.matmul(norm, jnp.matmul(x, W)) + b

def _lin(k, i, o):
    kw, kb = jax.random.split(k)
    s = 1.0 / np.sqrt(i)
    W = jax.random.uniform(kw, (i, o), minval=-s, maxval=s, dtype=jnp.float32)
    b = jax.random.uniform(kb, (o,), minval=-s, maxval=s, dtype=jnp.float32)
    return W, b

def setup_inputs(seed: int = 0) -> dict:
    key = jax.random.key(seed)
    ks = jax.random.split(key, 12)
    state = jax.random.normal(ks[0], (B, N, F), dtype=jnp.float32)
    adj = jax.random.uniform(ks[1], (B, N, N), dtype=jnp.float32)
    W1, b1 = _lin(ks[2], F, 21)
    W2, b2 = _lin(ks[3], 21, 21)
    Wf1, bf1 = _lin(ks[4], 441, FC1)
    Wf2, bf2 = _lin(ks[5], FC1, FC2)
    Wf3, bf3 = _lin(ks[6], FC2, 256)
    Wf4, bf4 = _lin(ks[7], 256, 64)
    Wpi, bpi = _lin(ks[8], FC2, NA)
    Wv, bv = _lin(ks[9], 64, 1)
    return dict(state=state, adj=adj, W1=W1, b1=b1, W2=W2, b2=b2,
                Wf1=Wf1, bf1=bf1, Wf2=Wf2, bf2=bf2, Wf3=Wf3, bf3=bf3,
                Wf4=Wf4, bf4=bf4, Wpi=Wpi, bpi=bpi, Wv=Wv, bv=bv)

def reference(state, adj, W1, b1, W2, b2, Wf1, bf1, Wf2, bf2, Wf3, bf3, Wf4, bf4, Wpi, bpi, Wv, bv):
    x = _gcn(state, adj, W1, b1)
    x = _gcn(x, adj, W2, b2)
    x = x.reshape(x.shape[0], -1)[0]  # [441] : flattened 21x21 features of graph 0
    x = jax.nn.relu(x @ Wf1 + bf1)
    x = jax.nn.relu(x @ Wf2 + bf2)
    vx = jax.nn.relu(x @ Wf3 + bf3)
    vx = jax.nn.relu(vx @ Wf4 + bf4)
    pi = x @ Wpi + bpi
    v = vx @ Wv + bv
    return (pi, v)

if __name__ == "__main__":
    import jax
    _d = setup_inputs()
    print(jax.jit(kernel)(*tuple(_d.values())))

</pallas_src>

<mosaic_0001>
#map = affine_map<(d0, d1) -> (0, 0, 0)>
#map1 = affine_map<(d0, d1) -> (0, 0)>
module attributes {stable_mosaic.version = 14 : i64} {
  func.func @k(%arg0: i32, %arg1: i32, %arg2: memref<1024x21x128xf32, #tpu.memory_space<hbm>>, %arg3: memref<21x128xf32, #tpu.memory_space<hbm>>, %arg4: memref<21x128xf32, #tpu.memory_space<vmem>>) attributes {dimension_semantics = [#tpu.dimension_semantics<core_parallel>, #tpu.dimension_semantics<subcore_parallel>], iteration_bounds = array<i64: 2, 16>, scalar_prefetch = 0 : i64, scratch_operands = 1 : i64, tpu.core_type = #tpu.core_type<sc_vector_subcore>, window_params = [{transform_indices = #map}, {transform_indices = #map1}]} {
    %mul3A = arith.constant 2 : i32
    %mul3A_0 = arith.muli %arg1, %mul3A : i32
    %add3A = arith.addi %mul3A_0, %arg0 : i32
    %eq3A = arith.constant 0 : i32
    %eq3A_1 = arith.cmpi eq, %add3A, %eq3A : i32
    %convert_element_type3A = arith.extui %eq3A_1 : i1 to i32
    %cond3A = arith.constant 0 : i32
    %cond3A_2 = arith.cmpi ne, %convert_element_type3A, %cond3A : i32
    scf.if %cond3A_2 {
      %run_scoped3A = arith.constant 0 : i32
      "tpu.region"() ({
        %run_scoped3A_3 = tpu.sem_alloc : memref<!tpu.dma_semaphore, #tpu.memory_space<semaphore_mem>>
        %dma_start3A = arith.constant 0 : i32
        %dma_start3A_4 = arith.constant 0 : i32
        %dma_start3A_5 = tpu.memref_slice %arg2[%run_scoped3A, %dma_start3A, %dma_start3A_4] : memref<1024x21x128xf32, #tpu.memory_space<hbm>> -> memref<1x21x128xf32, #tpu.memory_space<hbm>>
        %dma_start3A_6 = tpu.memref_squeeze %dma_start3A_5 : memref<1x21x128xf32, #tpu.memory_space<hbm>> -> memref<21x128xf32, #tpu.memory_space<hbm>>
        %dma_start3A_7 = arith.constant 0 : i32
        %dma_start3A_8 = arith.constant 0 : i32
        %dma_start3A_9 = tpu.memref_slice %arg2[%run_scoped3A, %dma_start3A_7, %dma_start3A_8] : memref<1024x21x128xf32, #tpu.memory_space<hbm>> -> memref<1x21x128xf32, #tpu.memory_space<hbm>>
        %dma_start3A_10 = tpu.memref_squeeze %dma_start3A_9 : memref<1x21x128xf32, #tpu.memory_space<hbm>> -> memref<21x128xf32, #tpu.memory_space<hbm>>
        tpu.enqueue_dma source(%dma_start3A_10 : memref<21x128xf32, #tpu.memory_space<hbm>>) target(%arg4 : memref<21x128xf32, #tpu.memory_space<vmem>>) target_semaphore(%run_scoped3A_3 : memref<!tpu.dma_semaphore, #tpu.memory_space<semaphore_mem>>)
        %dma_wait3A = arith.constant 0 : i32
        %dma_wait3A_11 = arith.constant 0 : i32
        %dma_wait3A_12 = tpu.memref_slice %arg2[%run_scoped3A, %dma_wait3A, %dma_wait3A_11] : memref<1024x21x128xf32, #tpu.memory_space<hbm>> -> memref<1x21x128xf32, #tpu.memory_space<hbm>>
        %dma_wait3A_13 = tpu.memref_squeeze %dma_wait3A_12 : memref<1x21x128xf32, #tpu.memory_space<hbm>> -> memref<21x128xf32, #tpu.memory_space<hbm>>
        %dma_wait3A_14 = arith.constant 0 : i32
        %dma_wait3A_15 = arith.constant 0 : i32
        %dma_wait3A_16 = tpu.memref_slice %arg2[%run_scoped3A, %dma_wait3A_14, %dma_wait3A_15] : memref<1024x21x128xf32, #tpu.memory_space<hbm>> -> memref<1x21x128xf32, #tpu.memory_space<hbm>>
        %dma_wait3A_17 = tpu.memref_squeeze %dma_wait3A_16 : memref<1x21x128xf32, #tpu.memory_space<hbm>> -> memref<21x128xf32, #tpu.memory_space<hbm>>
        tpu.wait_dma2 semaphore(%run_scoped3A_3 : memref<!tpu.dma_semaphore, #tpu.memory_space<semaphore_mem>>) src(%dma_wait3A_17 : memref<21x128xf32, #tpu.memory_space<hbm>>) dst(%arg4 : memref<21x128xf32, #tpu.memory_space<vmem>>)
        tpu.yield
      }) : () -> ()
      "tpu.region"() ({
        %run_scoped3A_3 = tpu.sem_alloc : memref<!tpu.dma_semaphore, #tpu.memory_space<semaphore_mem>>
        tpu.enqueue_dma source(%arg4 : memref<21x128xf32, #tpu.memory_space<vmem>>) target(%arg3 : memref<21x128xf32, #tpu.memory_space<hbm>>) target_semaphore(%run_scoped3A_3 : memref<!tpu.dma_semaphore, #tpu.memory_space<semaphore_mem>>)
        tpu.wait_dma2 semaphore(%run_scoped3A_3 : memref<!tpu.dma_semaphore, #tpu.memory_space<semaphore_mem>>) src(%arg4 : memref<21x128xf32, #tpu.memory_space<vmem>>) dst(%arg3 : memref<21x128xf32, #tpu.memory_space<hbm>>)
        tpu.yield
      }) : () -> ()
    } else {
    }
    return
  }
}

module attributes {stable_mosaic.version = 14 : i64} {
  func.func @_fused_fwd(%arg0: i32, %arg1: memref<191x128xf32, #tpu.memory_space<vmem>>, %arg2: memref<441x1024xf32, #tpu.memory_space<vmem>>, %arg3: memref<1024x512xf32, #tpu.memory_space<vmem>>, %arg4: memref<512x256xf32, #tpu.memory_space<vmem>>, %arg5: memref<512x64xf32, #tpu.memory_space<vmem>>, %arg6: memref<256x64xf32, #tpu.memory_space<vmem>>, %arg7: memref<64x1xf32, #tpu.memory_space<vmem>>, %arg8: memref<1x21xf32, #tpu.memory_space<vmem>>, %arg9: memref<1x21xf32, #tpu.memory_space<vmem>>, %arg10: memref<1x1024xf32, #tpu.memory_space<vmem>>, %arg11: memref<1x512xf32, #tpu.memory_space<vmem>>, %arg12: memref<1x256xf32, #tpu.memory_space<vmem>>, %arg13: memref<1x64xf32, #tpu.memory_space<vmem>>, %arg14: memref<1x64xf32, #tpu.memory_space<vmem>>, %arg15: memref<1x1xf32, #tpu.memory_space<vmem>>, %arg16: memref<1x64xf32, #tpu.memory_space<vmem>>, %arg17: memref<1x1xf32, #tpu.memory_space<vmem>>) attributes {dimension_semantics = [#tpu.dimension_semantics<arbitrary>], iteration_bounds = array<i64: 1>, scalar_prefetch = 0 : i64, scratch_operands = 0 : i64, tpu.core_type = #tpu.core_type<tc>, window_params = [{pipeline_mode = #tpu.pipeline_mode<synchronous>, transform_indices = @transform_0, window_bounds = array<i64: 191, 128>}, {pipeline_mode = #tpu.pipeline_mode<synchronous>, transform_indices = @transform_1, window_bounds = array<i64: 441, 1024>}, {pipeline_mode = #tpu.pipeline_mode<synchronous>, transform_indices = @transform_2, window_bounds = array<i64: 1024, 512>}, {pipeline_mode = #tpu.pipeline_mode<synchronous>, transform_indices = @transform_3, window_bounds = array<i64: 512, 256>}, {pipeline_mode = #tpu.pipeline_mode<synchronous>, transform_indices = @transform_4, window_bounds = array<i64: 512, 64>}, {pipeline_mode = #tpu.pipeline_mode<synchronous>, transform_indices = @transform_5, window_bounds = array<i64: 256, 64>}, {pipeline_mode = #tpu.pipeline_mode<synchronous>, transform_indices = @transform_6, window_bounds = array<i64: 64, 1>}, {pipeline_mode = #tpu.pipeline_mode<synchronous>, transform_indices = @transform_7, window_bounds = array<i64: 1, 21>}, {pipeline_mode = #tpu.pipeline_mode<synchronous>, transform_indices = @transform_8, window_bounds = array<i64: 1, 21>}, {pipeline_mode = #tpu.pipeline_mode<synchronous>, transform_indices = @transform_9, window_bounds = array<i64: 1, 1024>}, {pipeline_mode = #tpu.pipeline_mode<synchronous>, transform_indices = @transform_10, window_bounds = array<i64: 1, 512>}, {pipeline_mode = #tpu.pipeline_mode<synchronous>, transform_indices = @transform_11, window_bounds = array<i64: 1, 256>}, {pipeline_mode = #tpu.pipeline_mode<synchronous>, transform_indices = @transform_12, window_bounds = array<i64: 1, 64>}, {pipeline_mode = #tpu.pipeline_mode<synchronous>, transform_indices = @transform_13, window_bounds = array<i64: 1, 64>}, {pipeline_mode = #tpu.pipeline_mode<synchronous>, transform_indices = @transform_14, window_bounds = array<i64: 1, 1>}, {pipeline_mode = #tpu.pipeline_mode<synchronous>, transform_indices = @transform_15, window_bounds = array<i64: 1, 64>}, {pipeline_mode = #tpu.pipeline_mode<synchronous>, transform_indices = @transform_16, window_bounds = array<i64: 1, 1>}]} {
    %get3A = arith.constant 0 : index
    %get3A_0 = arith.constant 0 : index
    %get3A_1 = vector.load %arg1[%get3A, %get3A_0] : memref<191x128xf32, #tpu.memory_space<vmem>>, vector<21x128xf32>
    %get3A_2 = arith.constant 21 : index
    %get3A_3 = arith.constant 0 : index
    %get3A_4 = vector.load %arg1[%get3A_2, %get3A_3] : memref<191x128xf32, #tpu.memory_space<vmem>>, vector<21x21xf32>
    %iota3A = tpu.iota {dimensions = array<i32: 0>} : vector<21x21xi32>
    %iota3A_5 = tpu.iota {dimensions = array<i32: 1>} : vector<21x21xi32>
    %add3A = arith.constant 0 : i32
    %add3A_6 = vector.broadcast %add3A : i32 to vector<21x21xi32>
    %add3A_7 = arith.addi %iota3A, %add3A_6 : vector<21x21xi32>
    %eq3A = arith.cmpi eq, %add3A_7, %iota3A_5 : vector<21x21xi32>
    %convert_element_type3A = arith.extui %eq3A : vector<21x21xi1> to vector<21x21xi32>
    %convert_element_type3A_8 = arith.sitofp %convert_element_type3A : vector<21x21xi32> to vector<21x21xf32>
    %add3A_9 = arith.addf %get3A_4, %convert_element_type3A_8 : vector<21x21xf32>
    %reduce_sum3A = arith.constant dense<0.000000e+00> : vector<21xf32>
    %reduce_sum3A_10 = vector.multi_reduction <add>, %add3A_9, %reduce_sum3A [1] : vector<21x21xf32> to vector<21xf32>
    %broadcast_in_dim3A = vector.shape_cast %reduce_sum3A_10 : vector<21xf32> to vector<21x1xf32>
    %gt3A = arith.constant 0.000000e+00 : f32
    %gt3A_11 = vector.broadcast %gt3A : f32 to vector<21x1xf32>
    %gt3A_12 = arith.cmpf ogt, %broadcast_in_dim3A, %gt3A_11 : vector<21x1xf32>
    %rsqrt3A = math.rsqrt %broadcast_in_dim3A : vector<21x1xf32>
    %jit3A = arith.constant 0.000000e+00 : f32
    %broadcast_in_dim3A_13 = vector.broadcast %jit3A : f32 to vector<21x1xf32>
    %select_n3A = arith.select %gt3A_12, %rsqrt3A, %broadcast_in_dim3A_13 : vector<21x1xi1>, vector<21x1xf32>
    %get3A_14 = arith.constant 42 : index
    %get3A_15 = arith.constant 0 : index
    %get3A_16 = vector.load %arg1[%get3A_14, %get3A_15] : memref<191x128xf32, #tpu.memory_space<vmem>>, vector<128x21xf32>
    %dot_general3A = arith.constant dense<0.000000e+00> : vector<21x21xf32>
    %dot_general3A_17 = tpu.matmul %get3A_1, %get3A_16, %dot_general3A {dimension_numbers = #tpu.dot_dimension_numbers<[1], [0], [0], [1], [0, 0, 1, 1], [], []>, transpose_lhs_hint = false} : vector<21x128xf32>, vector<128x21xf32>, vector<21x21xf32> -> vector<21x21xf32>
    %mul3A = vector.broadcast %select_n3A : vector<21x1xf32> to vector<21x21xf32>
    %mul3A_18 = arith.mulf %mul3A, %dot_general3A_17 : vector<21x21xf32>
    %dot_general3A_19 = arith.constant dense<0.000000e+00> : vector<21x21xf32>
    %dot_general3A_20 = tpu.matmul %add3A_9, %mul3A_18, %dot_general3A_19 {dimension_numbers = #tpu.dot_dimension_numbers<[1], [0], [0], [1], [0, 0, 1, 1], [], []>, transpose_lhs_hint = false} : vector<21x21xf32>, vector<21x21xf32>, vector<21x21xf32> -> vector<21x21xf32>
    %mul3A_21 = vector.broadcast %select_n3A : vector<21x1xf32> to vector<21x21xf32>
    %mul3A_22 = arith.mulf %mul3A_21, %dot_general3A_20 : vector<21x21xf32>
    %get3A_23 = arith.constant 0 : index
    %get3A_24 = arith.constant 0 : index
    %get3A_25 = vector.load %arg8[%get3A_23, %get3A_24] : memref<1x21xf32, #tpu.memory_space<vmem>>, vector<1x21xf32>
    %add3A_26 = vector.broadcast %get3A_25 : vector<1x21xf32> to vector<21x21xf32>
    %add3A_27 = arith.addf %mul3A_22, %add3A_26 : vector<21x21xf32>
    %get3A_28 = arith.constant 170 : index
    %get3A_29 = arith.constant 0 : index
    %get3A_30 = vector.load %arg1[%get3A_28, %get3A_29] : memref<191x128xf32, #tpu.memory_space<vmem>>, vector<21x21xf32>
    %dot_general3A_31 = arith.constant dense<0.000000e+00> : vector<21x21xf32>
    %dot_general3A_32 = tpu.matmul %add3A_27, %get3A_30, %dot_general3A_31 {dimension_numbers = #tpu.dot_dimension_numbers<[1], [0], [0], [1], [0, 0, 1, 1], [], []>, transpose_lhs_hint = false} : vector<21x21xf32>, vector<21x21xf32>, vector<21x21xf32> -> vector<21x21xf32>
    %mul3A_33 = vector.broadcast %select_n3A : vector<21x1xf32> to vector<21x21xf32>
    %mul3A_34 = arith.mulf %mul3A_33, %dot_general3A_32 : vector<21x21xf32>
    %dot_general3A_35 = arith.constant dense<0.000000e+00> : vector<21x21xf32>
    %dot_general3A_36 = tpu.matmul %add3A_9, %mul3A_34, %dot_general3A_35 {dimension_numbers = #tpu.dot_dimension_numbers<[1], [0], [0], [1], [0, 0, 1, 1], [], []>, transpose_lhs_hint = false} : vector<21x21xf32>, vector<21x21xf32>, vector<21x21xf32> -> vector<21x21xf32>
    %mul3A_37 = vector.broadcast %select_n3A : vector<21x1xf32> to vector<21x21xf32>
    %mul3A_38 = arith.mulf %mul3A_37, %dot_general3A_36 : vector<21x21xf32>
    %get3A_39 = arith.constant 0 : index
    %get3A_40 = arith.constant 0 : index
    %get3A_41 = vector.load %arg9[%get3A_39, %get3A_40] : memref<1x21xf32, #tpu.memory_space<vmem>>, vector<1x21xf32>
    %add3A_42 = vector.broadcast %get3A_41 : vector<1x21xf32> to vector<21x21xf32>
    %add3A_43 = arith.addf %mul3A_38, %add3A_42 : vector<21x21xf32>
    %slice3A = vector.extract_strided_slice %add3A_43 {offsets = [0, 0], sizes = [1, 21], strides = [1, 1]} : vector<21x21xf32> to vector<1x21xf32>
    %get3A_44 = arith.constant 0 : index
    %get3A_45 = arith.constant 0 : index
    %get3A_46 = vector.load %arg2[%get3A_44, %get3A_45] : memref<441x1024xf32, #tpu.memory_space<vmem>>, vector<21x1024xf32>
    %dot_general3A_47 = arith.constant dense<0.000000e+00> : vector<1x1024xf32>
    %dot_general3A_48 = tpu.matmul %slice3A, %get3A_46, %dot_general3A_47 {dimension_numbers = #tpu.dot_dimension_numbers<[1], [0], [0], [1], [0, 0, 1, 1], [], []>, transpose_lhs_hint = false} : vector<1x21xf32>, vector<21x1024xf32>, vector<1x1024xf32> -> vector<1x1024xf32>
    %slice3A_49 = vector.extract_strided_slice %add3A_43 {offsets = [1, 0], sizes = [1, 21], strides = [1, 1]} : vector<21x21xf32> to vector<1x21xf32>
    %get3A_50 = arith.constant 21 : index
    %get3A_51 = arith.constant 0 : index
    %get3A_52 = vector.load %arg2[%get3A_50, %get3A_51] : memref<441x1024xf32, #tpu.memory_space<vmem>>, vector<21x1024xf32>
    %dot_general3A_53 = arith.constant dense<0.000000e+00> : vector<1x1024xf32>
    %dot_general3A_54 = tpu.matmul %slice3A_49, %get3A_52, %dot_general3A_53 {dimension_numbers = #tpu.dot_dimension_numbers<[1], [0], [0], [1], [0, 0, 1, 1], [], []>, transpose_lhs_hint = false} : vector<1x21xf32>, vector<21x1024xf32>, vector<1x1024xf32> -> vector<1x1024xf32>
    %slice3A_55 = vector.extract_strided_slice %add3A_43 {offsets = [2, 0], sizes = [1, 21], strides = [1, 1]} : vector<21x21xf32> to vector<1x21xf32>
    %get3A_56 = arith.constant 42 : index
    %get3A_57 = arith.constant 0 : index
    %get3A_58 = vector.load %arg2[%get3A_56, %get3A_57] : memref<441x1024xf32, #tpu.memory_space<vmem>>, vector<21x1024xf32>
    %dot_general3A_59 = arith.constant dense<0.000000e+00> : vector<1x1024xf32>
    %dot_general3A_60 = tpu.matmul %slice3A_55, %get3A_58, %dot_general3A_59 {dimension_numbers = #tpu.dot_dimension_numbers<[1], [0], [0], [1], [0, 0, 1, 1], [], []>, transpose_lhs_hint = false} : vector<1x21xf32>, vector<21x1024xf32>, vector<1x1024xf32> -> vector<1x1024xf32>
    %slice3A_61 = vector.extract_strided_slice %add3A_43 {offsets = [3, 0], sizes = [1, 21], strides = [1, 1]} : vector<21x21xf32> to vector<1x21xf32>
    %get3A_62 = arith.constant 63 : index
    %get3A_63 = arith.constant 0 : index
    %get3A_64 = vector.load %arg2[%get3A_62, %get3A_63] : memref<441x1024xf32, #tpu.memory_space<vmem>>, vector<21x1024xf32>
    %dot_general3A_65 = arith.constant dense<0.000000e+00> : vector<1x1024xf32>
    %dot_general3A_66 = tpu.matmul %slice3A_61, %get3A_64, %dot_general3A_65 {dimension_numbers = #tpu.dot_dimension_numbers<[1], [0], [0], [1], [0, 0, 1, 1], [], []>, transpose_lhs_hint = false} : vector<1x21xf32>, vector<21x1024xf32>, vector<1x1024xf32> -> vector<1x1024xf32>
    %slice3A_67 = vector.extract_strided_slice %add3A_43 {offsets = [4, 0], sizes = [1, 21], strides = [1, 1]} : vector<21x21xf32> to vector<1x21xf32>
    %get3A_68 = arith.constant 84 : index
    %get3A_69 = arith.constant 0 : index
    %get3A_70 = vector.load %arg2[%get3A_68, %get3A_69] : memref<441x1024xf32, #tpu.memory_space<vmem>>, vector<21x1024xf32>
    %dot_general3A_71 = arith.constant dense<0.000000e+00> : vector<1x1024xf32>
    %dot_general3A_72 = tpu.matmul %slice3A_67, %get3A_70, %dot_general3A_71 {dimension_numbers = #tpu.dot_dimension_numbers<[1], [0], [0], [1], [0, 0, 1, 1], [], []>, transpose_lhs_hint = false} : vector<1x21xf32>, vector<21x1024xf32>, vector<1x1024xf32> -> vector<1x1024xf32>
    %slice3A_73 = vector.extract_strided_slice %add3A_43 {offsets = [5, 0], sizes = [1, 21], strides = [1, 1]} : vector<21x21xf32> to vector<1x21xf32>
    %get3A_74 = arith.constant 105 : index
    %get3A_75 = arith.constant 0 : index
    %get3A_76 = vector.load %arg2[%get3A_74, %get3A_75] : memref<441x1024xf32, #tpu.memory_space<vmem>>, vector<21x1024xf32>
    %dot_general3A_77 = arith.constant dense<0.000000e+00> : vector<1x1024xf32>
    %dot_general3A_78 = tpu.matmul %slice3A_73, %get3A_76, %dot_general3A_77 {dimension_numbers = #tpu.dot_dimension_numbers<[1], [0], [0], [1], [0, 0, 1, 1], [], []>, transpose_lhs_hint = false} : vector<1x21xf32>, vector<21x1024xf32>, vector<1x1024xf32> -> vector<1x1024xf32>
    %slice3A_79 = vector.extract_strided_slice %add3A_43 {offsets = [6, 0], sizes = [1, 21], strides = [1, 1]} : vector<21x21xf32> to vector<1x21xf32>
    %get3A_80 = arith.constant 126 : index
    %get3A_81 = arith.constant 0 : index
    %get3A_82 = vector.load %arg2[%get3A_80, %get3A_81] : memref<441x1024xf32, #tpu.memory_space<vmem>>, vector<21x1024xf32>
    %dot_general3A_83 = arith.constant dense<0.000000e+00> : vector<1x1024xf32>
    %dot_general3A_84 = tpu.matmul %slice3A_79, %get3A_82, %dot_general3A_83 {dimension_numbers = #tpu.dot_dimension_numbers<[1], [0], [0], [1], [0, 0, 1, 1], [], []>, transpose_lhs_hint = false} : vector<1x21xf32>, vector<21x1024xf32>, vector<1x1024xf32> -> vector<1x1024xf32>
    %slice3A_85 = vector.extract_strided_slice %add3A_43 {offsets = [7, 0], sizes = [1, 21], strides = [1, 1]} : vector<21x21xf32> to vector<1x21xf32>
    %get3A_86 = arith.constant 147 : index
    %get3A_87 = arith.constant 0 : index
    %get3A_88 = vector.load %arg2[%get3A_86, %get3A_87] : memref<441x1024xf32, #tpu.memory_space<vmem>>, vector<21x1024xf32>
    %dot_general3A_89 = arith.constant dense<0.000000e+00> : vector<1x1024xf32>
    %dot_general3A_90 = tpu.matmul %slice3A_85, %get3A_88, %dot_general3A_89 {dimension_numbers = #tpu.dot_dimension_numbers<[1], [0], [0], [1], [0, 0, 1, 1], [], []>, transpose_lhs_hint = false} : vector<1x21xf32>, vector<21x1024xf32>, vector<1x1024xf32> -> vector<1x1024xf32>
    %slice3A_91 = vector.extract_strided_slice %add3A_43 {offsets = [8, 0], sizes = [1, 21], strides = [1, 1]} : vector<21x21xf32> to vector<1x21xf32>
    %get3A_92 = arith.constant 168 : index
    %get3A_93 = arith.constant 0 : index
    %get3A_94 = vector.load %arg2[%get3A_92, %get3A_93] : memref<441x1024xf32, #tpu.memory_space<vmem>>, vector<21x1024xf32>
    %dot_general3A_95 = arith.constant dense<0.000000e+00> : vector<1x1024xf32>
    %dot_general3A_96 = tpu.matmul %slice3A_91, %get3A_94, %dot_general3A_95 {dimension_numbers = #tpu.dot_dimension_numbers<[1], [0], [0], [1], [0, 0, 1, 1], [], []>, transpose_lhs_hint = false} : vector<1x21xf32>, vector<21x1024xf32>, vector<1x1024xf32> -> vector<1x1024xf32>
    %slice3A_97 = vector.extract_strided_slice %add3A_43 {offsets = [9, 0], sizes = [1, 21], strides = [1, 1]} : vector<21x21xf32> to vector<1x21xf32>
    %get3A_98 = arith.constant 189 : index
    %get3A_99 = arith.constant 0 : index
    %get3A_100 = vector.load %arg2[%get3A_98, %get3A_99] : memref<441x1024xf32, #tpu.memory_space<vmem>>, vector<21x1024xf32>
    %dot_general3A_101 = arith.constant dense<0.000000e+00> : vector<1x1024xf32>
    %dot_general3A_102 = tpu.matmul %slice3A_97, %get3A_100, %dot_general3A_101 {dimension_numbers = #tpu.dot_dimension_numbers<[1], [0], [0], [1], [0, 0, 1, 1], [], []>, transpose_lhs_hint = false} : vector<1x21xf32>, vector<21x1024xf32>, vector<1x1024xf32> -> vector<1x1024xf32>
    %slice3A_103 = vector.extract_strided_slice %add3A_43 {offsets = [10, 0], sizes = [1, 21], strides = [1, 1]} : vector<21x21xf32> to vector<1x21xf32>
    %get3A_104 = arith.constant 210 : index
    %get3A_105 = arith.constant 0 : index
    %get3A_106 = vector.load %arg2[%get3A_104, %get3A_105] : memref<441x1024xf32, #tpu.memory_space<vmem>>, vector<21x1024xf32>
    %dot_general3A_107 = arith.constant dense<0.000000e+00> : vector<1x1024xf32>
    %dot_general3A_108 = tpu.matmul %slice3A_103, %get3A_106, %dot_general3A_107 {dimension_numbers = #tpu.dot_dimension_numbers<[1], [0], [0], [1], [0, 0, 1, 1], [], []>, transpose_lhs_hint = false} : vector<1x21xf32>, vector<21x1024xf32>, vector<1x1024xf32> -> vector<1x1024xf32>
    %slice3A_109 = vector.extract_strided_slice %add3A_43 {offsets = [11, 0], sizes = [1, 21], strides = [1, 1]} : vector<21x21xf32> to vector<1x21xf32>
    %get3A_110 = arith.constant 231 : index
    %get3A_111 = arith.constant 0 : index
    %get3A_112 = vector.load %arg2[%get3A_110, %get3A_111] : memref<441x1024xf32, #tpu.memory_space<vmem>>, vector<21x1024xf32>
    %dot_general3A_113 = arith.constant dense<0.000000e+00> : vector<1x1024xf32>
    %dot_general3A_114 = tpu.matmul %slice3A_109, %get3A_112, %dot_general3A_113 {dimension_numbers = #tpu.dot_dimension_numbers<[1], [0], [0], [1], [0, 0, 1, 1], [], []>, transpose_lhs_hint = false} : vector<1x21xf32>, vector<21x1024xf32>, vector<1x1024xf32> -> vector<1x1024xf32>
    %slice3A_115 = vector.extract_strided_slice %add3A_43 {offsets = [12, 0], sizes = [1, 21], strides = [1, 1]} : vector<21x21xf32> to vector<1x21xf32>
    %get3A_116 = arith.constant 252 : index
    %get3A_117 = arith.constant 0 : index
    %get3A_118 = vector.load %arg2[%get3A_116, %get3A_117] : memref<441x1024xf32, #tpu.memory_space<vmem>>, vector<21x1024xf32>
    %dot_general3A_119 = arith.constant dense<0.000000e+00> : vector<1x1024xf32>
    %dot_general3A_120 = tpu.matmul %slice3A_115, %get3A_118, %dot_general3A_119 {dimension_numbers = #tpu.dot_dimension_numbers<[1], [0], [0], [1], [0, 0, 1, 1], [], []>, transpose_lhs_hint = false} : vector<1x21xf32>, vector<21x1024xf32>, vector<1x1024xf32> -> vector<1x1024xf32>
    %slice3A_121 = vector.extract_strided_slice %add3A_43 {offsets = [13, 0], sizes = [1, 21], strides = [1, 1]} : vector<21x21xf32> to vector<1x21xf32>
    %get3A_122 = arith.constant 273 : index
    %get3A_123 = arith.constant 0 : index
    %get3A_124 = vector.load %arg2[%get3A_122, %get3A_123] : memref<441x1024xf32, #tpu.memory_space<vmem>>, vector<21x1024xf32>
    %dot_general3A_125 = arith.constant dense<0.000000e+00> : vector<1x1024xf32>
    %dot_general3A_126 = tpu.matmul %slice3A_121, %get3A_124, %dot_general3A_125 {dimension_numbers = #tpu.dot_dimension_numbers<[1], [0], [0], [1], [0, 0, 1, 1], [], []>, transpose_lhs_hint = false} : vector<1x21xf32>, vector<21x1024xf32>, vector<1x1024xf32> -> vector<1x1024xf32>
    %slice3A_127 = vector.extract_strided_slice %add3A_43 {offsets = [14, 0], sizes = [1, 21], strides = [1, 1]} : vector<21x21xf32> to vector<1x21xf32>
    %get3A_128 = arith.constant 294 : index
    %get3A_129 = arith.constant 0 : index
    %get3A_130 = vector.load %arg2[%get3A_128, %get3A_129] : memref<441x1024xf32, #tpu.memory_space<vmem>>, vector<21x1024xf32>
    %dot_general3A_131 = arith.constant dense<0.000000e+00> : vector<1x1024xf32>
    %dot_general3A_132 = tpu.matmul %slice3A_127, %get3A_130, %dot_general3A_131 {dimension_numbers = #tpu.dot_dimension_numbers<[1], [0], [0], [1], [0, 0, 1, 1], [], []>, transpose_lhs_hint = false} : vector<1x21xf32>, vector<21x1024xf32>, vector<1x1024xf32> -> vector<1x1024xf32>
    %slice3A_133 = vector.extract_strided_slice %add3A_43 {offsets = [15, 0], sizes = [1, 21], strides = [1, 1]} : vector<21x21xf32> to vector<1x21xf32>
    %get3A_134 = arith.constant 315 : index
    %get3A_135 = arith.constant 0 : index
    %get3A_136 = vector.load %arg2[%get3A_134, %get3A_135] : memref<441x1024xf32, #tpu.memory_space<vmem>>, vector<21x1024xf32>
    %dot_general3A_137 = arith.constant dense<0.000000e+00> : vector<1x1024xf32>
    %dot_general3A_138 = tpu.matmul %slice3A_133, %get3A_136, %dot_general3A_137 {dimension_numbers = #tpu.dot_dimension_numbers<[1], [0], [0], [1], [0, 0, 1, 1], [], []>, transpose_lhs_hint = false} : vector<1x21xf32>, vector<21x1024xf32>, vector<1x1024xf32> -> vector<1x1024xf32>
    %slice3A_139 = vector.extract_strided_slice %add3A_43 {offsets = [16, 0], sizes = [1, 21], strides = [1, 1]} : vector<21x21xf32> to vector<1x21xf32>
    %get3A_140 = arith.constant 336 : index
    %get3A_141 = arith.constant 0 : index
    %get3A_142 = vector.load %arg2[%get3A_140, %get3A_141] : memref<441x1024xf32, #tpu.memory_space<vmem>>, vector<21x1024xf32>
    %dot_general3A_143 = arith.constant dense<0.000000e+00> : vector<1x1024xf32>
    %dot_general3A_144 = tpu.matmul %slice3A_139, %get3A_142, %dot_general3A_143 {dimension_numbers = #tpu.dot_dimension_numbers<[1], [0], [0], [1], [0, 0, 1, 1], [], []>, transpose_lhs_hint = false} : vector<1x21xf32>, vector<21x1024xf32>, vector<1x1024xf32> -> vector<1x1024xf32>
    %slice3A_145 = vector.extract_strided_slice %add3A_43 {offsets = [17, 0], sizes = [1, 21], strides = [1, 1]} : vector<21x21xf32> to vector<1x21xf32>
    %get3A_146 = arith.constant 357 : index
    %get3A_147 = arith.constant 0 : index
    %get3A_148 = vector.load %arg2[%get3A_146, %get3A_147] : memref<441x1024xf32, #tpu.memory_space<vmem>>, vector<21x1024xf32>
    %dot_general3A_149 = arith.constant dense<0.000000e+00> : vector<1x1024xf32>
    %dot_general3A_150 = tpu.matmul %slice3A_145, %get3A_148, %dot_general3A_149 {dimension_numbers = #tpu.dot_dimension_numbers<[1], [0], [0], [1], [0, 0, 1, 1], [], []>, transpose_lhs_hint = false} : vector<1x21xf32>, vector<21x1024xf32>, vector<1x1024xf32> -> vector<1x1024xf32>
    %slice3A_151 = vector.extract_strided_slice %add3A_43 {offsets = [18, 0], sizes = [1, 21], strides = [1, 1]} : vector<21x21xf32> to vector<1x21xf32>
    %get3A_152 = arith.constant 378 : index
    %get3A_153 = arith.constant 0 : index
    %get3A_154 = vector.load %arg2[%get3A_152, %get3A_153] : memref<441x1024xf32, #tpu.memory_space<vmem>>, vector<21x1024xf32>
    %dot_general3A_155 = arith.constant dense<0.000000e+00> : vector<1x1024xf32>
    %dot_general3A_156 = tpu.matmul %slice3A_151, %get3A_154, %dot_general3A_155 {dimension_numbers = #tpu.dot_dimension_numbers<[1], [0], [0], [1], [0, 0, 1, 1], [], []>, transpose_lhs_hint = false} : vector<1x21xf32>, vector<21x1024xf32>, vector<1x1024xf32> -> vector<1x1024xf32>
    %slice3A_157 = vector.extract_strided_slice %add3A_43 {offsets = [19, 0], sizes = [1, 21], strides = [1, 1]} : vector<21x21xf32> to vector<1x21xf32>
    %get3A_158 = arith.constant 399 : index
    %get3A_159 = arith.constant 0 : index
    %get3A_160 = vector.load %arg2[%get3A_158, %get3A_159] : memref<441x1024xf32, #tpu.memory_space<vmem>>, vector<21x1024xf32>
    %dot_general3A_161 = arith.constant dense<0.000000e+00> : vector<1x1024xf32>
    %dot_general3A_162 = tpu.matmul %slice3A_157, %get3A_160, %dot_general3A_161 {dimension_numbers = #tpu.dot_dimension_numbers<[1], [0], [0], [1], [0, 0, 1, 1], [], []>, transpose_lhs_hint = false} : vector<1x21xf32>, vector<21x1024xf32>, vector<1x1024xf32> -> vector<1x1024xf32>
    %slice3A_163 = vector.extract_strided_slice %add3A_43 {offsets = [20, 0], sizes = [1, 21], strides = [1, 1]} : vector<21x21xf32> to vector<1x21xf32>
    %get3A_164 = arith.constant 420 : index
    %get3A_165 = arith.constant 0 : index
    %get3A_166 = vector.load %arg2[%get3A_164, %get3A_165] : memref<441x1024xf32, #tpu.memory_space<vmem>>, vector<21x1024xf32>
    %dot_general3A_167 = arith.constant dense<0.000000e+00> : vector<1x1024xf32>
    %dot_general3A_168 = tpu.matmul %slice3A_163, %get3A_166, %dot_general3A_167 {dimension_numbers = #tpu.dot_dimension_numbers<[1], [0], [0], [1], [0, 0, 1, 1], [], []>, transpose_lhs_hint = false} : vector<1x21xf32>, vector<21x1024xf32>, vector<1x1024xf32> -> vector<1x1024xf32>
    %get3A_169 = arith.constant 0 : index
    %get3A_170 = arith.constant 0 : index
    %get3A_171 = vector.load %arg10[%get3A_169, %get3A_170] : memref<1x1024xf32, #tpu.memory_space<vmem>>, vector<1x1024xf32>
    %add3A_172 = arith.addf %dot_general3A_48, %dot_general3A_54 : vector<1x1024xf32>
    %add3A_173 = arith.addf %dot_general3A_60, %dot_general3A_66 : vector<1x1024xf32>
    %add3A_174 = arith.addf %dot_general3A_72, %dot_general3A_78 : vector<1x1024xf32>
    %add3A_175 = arith.addf %dot_general3A_84, %dot_general3A_90 : vector<1x1024xf32>
    %add3A_176 = arith.addf %dot_general3A_96, %dot_general3A_102 : vector<1x1024xf32>
    %add3A_177 = arith.addf %dot_general3A_108, %dot_general3A_114 : vector<1x1024xf32>
    %add3A_178 = arith.addf %dot_general3A_120, %dot_general3A_126 : vector<1x1024xf32>
    %add3A_179 = arith.addf %dot_general3A_132, %dot_general3A_138 : vector<1x1024xf32>
    %add3A_180 = arith.addf %dot_general3A_144, %dot_general3A_150 : vector<1x1024xf32>
    %add3A_181 = arith.addf %dot_general3A_156, %dot_general3A_162 : vector<1x1024xf32>
    %add3A_182 = arith.addf %dot_general3A_168, %get3A_171 : vector<1x1024xf32>
    %add3A_183 = arith.addf %add3A_172, %add3A_173 : vector<1x1024xf32>
    %add3A_184 = arith.addf %add3A_174, %add3A_175 : vector<1x1024xf32>
    %add3A_185 = arith.addf %add3A_176, %add3A_177 : vector<1x1024xf32>
    %add3A_186 = arith.addf %add3A_178, %add3A_179 : vector<1x1024xf32>
    %add3A_187 = arith.addf %add3A_180, %add3A_181 : vector<1x1024xf32>
    %add3A_188 = arith.addf %add3A_183, %add3A_184 : vector<1x1024xf32>
    %add3A_189 = arith.addf %add3A_185, %add3A_186 : vector<1x1024xf32>
    %add3A_190 = arith.addf %add3A_187, %add3A_182 : vector<1x1024xf32>
    %add3A_191 = arith.addf %add3A_188, %add3A_189 : vector<1x1024xf32>
    %add3A_192 = arith.addf %add3A_191, %add3A_190 : vector<1x1024xf32>
    %max3A = arith.constant 0.000000e+00 : f32
    %max3A_193 = vector.broadcast %max3A : f32 to vector<1x1024xf32>
    %max3A_194 = arith.maximumf %add3A_192, %max3A_193 : vector<1x1024xf32>
    %get3A_195 = arith.constant 0 : index
    %get3A_196 = arith.constant 0 : index
    %get3A_197 = vector.load %arg3[%get3A_195, %get3A_196] : memref<1024x512xf32, #tpu.memory_space<vmem>>, vector<1024x512xf32>
    %dot_general3A_198 = arith.constant dense<0.000000e+00> : vector<1x512xf32>
    %dot_general3A_199 = tpu.matmul %max3A_194, %get3A_197, %dot_general3A_198 {dimension_numbers = #tpu.dot_dimension_numbers<[1], [0], [0], [1], [0, 0, 1, 1], [], []>, transpose_lhs_hint = false} : vector<1x1024xf32>, vector<1024x512xf32>, vector<1x512xf32> -> vector<1x512xf32>
    %get3A_200 = arith.constant 0 : index
    %get3A_201 = arith.constant 0 : index
    %get3A_202 = vector.load %arg11[%get3A_200, %get3A_201] : memref<1x512xf32, #tpu.memory_space<vmem>>, vector<1x512xf32>
    %add3A_203 = arith.addf %dot_general3A_199, %get3A_202 : vector<1x512xf32>
    %max3A_204 = arith.constant 0.000000e+00 : f32
    %max3A_205 = vector.broadcast %max3A_204 : f32 to vector<1x512xf32>
    %max3A_206 = arith.maximumf %add3A_203, %max3A_205 : vector<1x512xf32>
    %get3A_207 = arith.constant 0 : index
    %get3A_208 = arith.constant 0 : index
    %get3A_209 = vector.load %arg4[%get3A_207, %get3A_208] : memref<512x256xf32, #tpu.memory_space<vmem>>, vector<512x256xf32>
    %dot_general3A_210 = arith.constant dense<0.000000e+00> : vector<1x256xf32>
    %dot_general3A_211 = tpu.matmul %max3A_206, %get3A_209, %dot_general3A_210 {dimension_numbers = #tpu.dot_dimension_numbers<[1], [0], [0], [1], [0, 0, 1, 1], [], []>, transpose_lhs_hint = false} : vector<1x512xf32>, vector<512x256xf32>, vector<1x256xf32> -> vector<1x256xf32>
    %get3A_212 = arith.constant 0 : index
    %get3A_213 = arith.constant 0 : index
    %get3A_214 = vector.load %arg12[%get3A_212, %get3A_213] : memref<1x256xf32, #tpu.memory_space<vmem>>, vector<1x256xf32>
    %add3A_215 = arith.addf %dot_general3A_211, %get3A_214 : vector<1x256xf32>
    %max3A_216 = arith.constant 0.000000e+00 : f32
    %max3A_217 = vector.broadcast %max3A_216 : f32 to vector<1x256xf32>
    %max3A_218 = arith.maximumf %add3A_215, %max3A_217 : vector<1x256xf32>
    %get3A_219 = arith.constant 0 : index
    %get3A_220 = arith.constant 0 : index
    %get3A_221 = vector.load %arg6[%get3A_219, %get3A_220] : memref<256x64xf32, #tpu.memory_space<vmem>>, vector<256x64xf32>
    %dot_general3A_222 = arith.constant dense<0.000000e+00> : vector<1x64xf32>
    %dot_general3A_223 = tpu.matmul %max3A_218, %get3A_221, %dot_general3A_222 {dimension_numbers = #tpu.dot_dimension_numbers<[1], [0], [0], [1], [0, 0, 1, 1], [], []>, transpose_lhs_hint = false} : vector<1x256xf32>, vector<256x64xf32>, vector<1x64xf32> -> vector<1x64xf32>
    %get3A_224 = arith.constant 0 : index
    %get3A_225 = arith.constant 0 : index
    %get3A_226 = vector.load %arg13[%get3A_224, %get3A_225] : memref<1x64xf32, #tpu.memory_space<vmem>>, vector<1x64xf32>
    %add3A_227 = arith.addf %dot_general3A_223, %get3A_226 : vector<1x64xf32>
    %max3A_228 = arith.constant 0.000000e+00 : f32
    %max3A_229 = vector.broadcast %max3A_228 : f32 to vector<1x64xf32>
    %max3A_230 = arith.maximumf %add3A_227, %max3A_229 : vector<1x64xf32>
    %get3A_231 = arith.constant 0 : index
    %get3A_232 = arith.constant 0 : index
    %get3A_233 = vector.load %arg5[%get3A_231, %get3A_232] : memref<512x64xf32, #tpu.memory_space<vmem>>, vector<512x64xf32>
    %dot_general3A_234 = arith.constant dense<0.000000e+00> : vector<1x64xf32>
    %dot_general3A_235 = tpu.matmul %max3A_206, %get3A_233, %dot_general3A_234 {dimension_numbers = #tpu.dot_dimension_numbers<[1], [0], [0], [1], [0, 0, 1, 1], [], []>, transpose_lhs_hint = false} : vector<1x512xf32>, vector<512x64xf32>, vector<1x64xf32> -> vector<1x64xf32>
    %get3A_236 = arith.constant 0 : index
    %get3A_237 = arith.constant 0 : index
    %get3A_238 = vector.load %arg14[%get3A_236, %get3A_237] : memref<1x64xf32, #tpu.memory_space<vmem>>, vector<1x64xf32>
    %add3A_239 = arith.addf %dot_general3A_235, %get3A_238 : vector<1x64xf32>
    %swap3A = arith.constant 0 : index
    %swap3A_240 = arith.constant 0 : index
    %swap3A_241 = vector.load %arg16[%swap3A, %swap3A_240] : memref<1x64xf32, #tpu.memory_space<vmem>>, vector<1x64xf32>
    tpu.vector_store %arg16[%swap3A, %swap3A_240], %add3A_239 {strides = array<i32>} : memref<1x64xf32, #tpu.memory_space<vmem>>, vector<1x64xf32>,
    %get3A_242 = arith.constant 0 : index
    %get3A_243 = arith.constant 0 : index
    %get3A_244 = vector.load %arg7[%get3A_242, %get3A_243] : memref<64x1xf32, #tpu.memory_space<vmem>>, vector<64x1xf32>
    %dot_general3A_245 = arith.constant dense<0.000000e+00> : vector<1x1xf32>
    %dot_general3A_246 = tpu.matmul %max3A_230, %get3A_244, %dot_general3A_245 {dimension_numbers = #tpu.dot_dimension_numbers<[1], [0], [0], [1], [0, 0, 1, 1], [], []>, transpose_lhs_hint = false} : vector<1x64xf32>, vector<64x1xf32>, vector<1x1xf32> -> vector<1x1xf32>
    %get3A_247 = arith.constant 0 : index
    %get3A_248 = arith.constant 0 : index
    %get3A_249 = vector.load %arg15[%get3A_247, %get3A_248] : memref<1x1xf32, #tpu.memory_space<vmem>>, vector<1x1xf32>
    %add3A_250 = arith.addf %dot_general3A_246, %get3A_249 : vector<1x1xf32>
    %swap3A_251 = arith.constant 0 : index
    %swap3A_252 = arith.constant 0 : index
    %swap3A_253 = vector.load %arg17[%swap3A_251, %swap3A_252] : memref<1x1xf32, #tpu.memory_space<vmem>>, vector<1x1xf32>
    tpu.vector_store %arg17[%swap3A_251, %swap3A_252], %add3A_250 {strides = array<i32>} : memref<1x1xf32, #tpu.memory_space<vmem>>, vector<1x1xf32>,
    return
  }
  func.func @transform_0(%arg0: i32) -> (i32, i32) {
    %c0_i32 = arith.constant 0 : i32
    %c0_i32_0 = arith.constant 0 : i32
    %c0_i32_1 = arith.constant 0 : i32
    return %c0_i32, %c0_i32_0 : i32, i32
  }
  func.func @transform_1(%arg0: i32) -> (i32, i32) {
    %c0_i32 = arith.constant 0 : i32
    %c0_i32_0 = arith.constant 0 : i32
    %c0_i32_1 = arith.constant 0 : i32
    return %c0_i32, %c0_i32_0 : i32, i32
  }
  func.func @transform_2(%arg0: i32) -> (i32, i32) {
    %c0_i32 = arith.constant 0 : i32
    %c0_i32_0 = arith.constant 0 : i32
    %c0_i32_1 = arith.constant 0 : i32
    return %c0_i32, %c0_i32_0 : i32, i32
  }
  func.func @transform_3(%arg0: i32) -> (i32, i32) {
    %c0_i32 = arith.constant 0 : i32
    %c0_i32_0 = arith.constant 0 : i32
    %c0_i32_1 = arith.constant 0 : i32
    return %c0_i32, %c0_i32_0 : i32, i32
  }
  func.func @transform_4(%arg0: i32) -> (i32, i32) {
    %c0_i32 = arith.constant 0 : i32
    %c0_i32_0 = arith.constant 0 : i32
    %c0_i32_1 = arith.constant 0 : i32
    return %c0_i32, %c0_i32_0 : i32, i32
  }
  func.func @transform_5(%arg0: i32) -> (i32, i32) {
    %c0_i32 = arith.constant 0 : i32
    %c0_i32_0 = arith.constant 0 : i32
    %c0_i32_1 = arith.constant 0 : i32
    return %c0_i32, %c0_i32_0 : i32, i32
  }
  func.func @transform_6(%arg0: i32) -> (i32, i32) {
    %c0_i32 = arith.constant 0 : i32
    %c0_i32_0 = arith.constant 0 : i32
    %c0_i32_1 = arith.constant 0 : i32
    return %c0_i32, %c0_i32_0 : i32, i32
  }
  func.func @transform_7(%arg0: i32) -> (i32, i32) {
    %c0_i32 = arith.constant 0 : i32
    %c0_i32_0 = arith.constant 0 : i32
    %c0_i32_1 = arith.constant 0 : i32
    return %c0_i32, %c0_i32_0 : i32, i32
  }
  func.func @transform_8(%arg0: i32) -> (i32, i32) {
    %c0_i32 = arith.constant 0 : i32
    %c0_i32_0 = arith.constant 0 : i32
    %c0_i32_1 = arith.constant 0 : i32
    return %c0_i32, %c0_i32_0 : i32, i32
  }
  func.func @transform_9(%arg0: i32) -> (i32, i32) {
    %c0_i32 = arith.constant 0 : i32
    %c0_i32_0 = arith.constant 0 : i32
    %c0_i32_1 = arith.constant 0 : i32
    return %c0_i32, %c0_i32_0 : i32, i32
  }
  func.func @transform_10(%arg0: i32) -> (i32, i32) {
    %c0_i32 = arith.constant 0 : i32
    %c0_i32_0 = arith.constant 0 : i32
    %c0_i32_1 = arith.constant 0 : i32
    return %c0_i32, %c0_i32_0 : i32, i32
  }
  func.func @transform_11(%arg0: i32) -> (i32, i32) {
    %c0_i32 = arith.constant 0 : i32
    %c0_i32_0 = arith.constant 0 : i32
    %c0_i32_1 = arith.constant 0 : i32
    return %c0_i32, %c0_i32_0 : i32, i32
  }
  func.func @transform_12(%arg0: i32) -> (i32, i32) {
    %c0_i32 = arith.constant 0 : i32
    %c0_i32_0 = arith.constant 0 : i32
    %c0_i32_1 = arith.constant 0 : i32
    return %c0_i32, %c0_i32_0 : i32, i32
  }
  func.func @transform_13(%arg0: i32) -> (i32, i32) {
    %c0_i32 = arith.constant 0 : i32
    %c0_i32_0 = arith.constant 0 : i32
    %c0_i32_1 = arith.constant 0 : i32
    return %c0_i32, %c0_i32_0 : i32, i32
  }
  func.func @transform_14(%arg0: i32) -> (i32, i32) {
    %c0_i32 = arith.constant 0 : i32
    %c0_i32_0 = arith.constant 0 : i32
    %c0_i32_1 = arith.constant 0 : i32
    return %c0_i32, %c0_i32_0 : i32, i32
  }
  func.func @transform_15(%arg0: i32) -> (i32, i32) {
    %c0_i32 = arith.constant 0 : i32
    %c0_i32_0 = arith.constant 0 : i32
    %c0_i32_1 = arith.constant 0 : i32
    return %c0_i32, %c0_i32_0 : i32, i32
  }
  func.func @transform_16(%arg0: i32) -> (i32, i32) {
    %c0_i32 = arith.constant 0 : i32
    %c0_i32_0 = arith.constant 0 : i32
    %c0_i32_1 = arith.constant 0 : i32
    return %c0_i32, %c0_i32_0 : i32, i32
  }
}

</mosaic_0001>

<sc_bundles>
// kernel: kernel.4.cloned.1.call-start
scs
__scs_entry_jumppad:
0x0: {  	(pc) =	sbr.rel $0x88, $3  }
0x1: {  	(tag) =	ssettag $0x0;
	lr =	simm.s32 $0x1  }
0x2: {  	[smem:$0x3F8F] =	sst lr;
	_ =	strace $0xD0000000  }
0x3: {  	_ = 	snop  }
0x4: {  	_ = 	snop  }
0x5: {  	_ = 	snop  }
0x6: {  	_ = 	snop  }
0x7: {  	_ = 	snop  }
__scs_overlays_trampoline_lowered:
0x8: {  	[smem:$0x3F9E] =	sst s0  }
0x9: {  	[smem:$0x3F9F] =	sst s1  }
0xa: {  	[smem:$0x3FA0] =	sst s2  }
0xb: {  	[smem:$0x3FA1] =	sst s3  }
0xc: {  	[smem:$0x3FA2] =	sst s4  }
0xd: {  	[smem:$0x3FA3] =	sst s5  }
0xe: {  	[smem:$0x3FA4] =	sst s6  }
0xf: {  	[smem:$0x3FA5] =	sst s7  }
0x10: {  	[smem:$0x3FA6] =	sst s8  }
0x11: {  	[smem:$0x3FA7] =	sst s9;
	s0 =	simm.s32 @!p0 $0x0  }
0x12: {  	s1 =	sld [smem:$0x3F8D];
	s0 =	simm.s32 @p0 $0x1  }
0x13: {  	[smem:$0x3FA8] =	sst s0;
	s0 =	simm.s32 @!p1 $0x0  }
0x14: {  	s2 =	sld [smem:$0x3F8C];
	s0 =	simm.s32 @p1 $0x1  }
0x15: {  	[smem:$0x3FA9] =	sst s0;
	s0 =	simm.s32 @!p2 $0x0  }
0x16: {  	s3 =	sld [smem:$0x3FDB];
	s0 =	simm.s32 @p2 $0x1  }
0x17: {  	s4 =	simm.s32 $0x1BF5;
	[smem:$0x3FAB] =	sst s0  }
0x18: {  	s0 =	sld [smem:$0x3F8E];
	_ =	swait.ge [sflag:s4], $0x0  }
0x19: {  	s7 =	sld [smem:$0x3F8F]  }
0x1a: {  	s8 =	sadd.s32 $0xFFFFE003, lr  }
0x1b: {  	s9 =	sadd.s32 $0xFFFFFEF7, lr;
	s5 =	simm.s32 $0xFFFFFFFF;
	p2 =	slt.u32 s8, $0xFFFFF086  }
0x1c: {  	p1 =	slt.u32 s9, $0xF7A;
	s5 =	simm.s32 @!p2 $0x0  }
0x1d: {  	s5 =	simm.s32 @p1 $0x1;
	p0 =	seq.s32 s7, s2  }
0x1e: {  	s7 =	smul.u32 @!p0 $0xF7A, s2;
	p2 =	seq.s32 @!p0 s5, $0x0  }
0x1f: {  	s9 =	smul.u32 $0xF7A, s1;
	s8 =	simm.s32 @!p0 $0x1BF5;
	p2 =	por !p2, p0  }
0x20: {  	[sflag:s8] =	ssyncset.s32 @!p0 $0xFFFFF086;
	s6 =	sadd.s32 @!p0 s3, s7;
	s7 =	simm.s32 @!p0 $0x108  }
0x21: {  	s3 =	sadd.s32 s3, s9;
	s6 =	sadd.s32 @!p0 $0x88, s6;
	s7 =	simm.s32 @p2 $0x1082  }
0x22: {  	[simem:s7], [sflag:s8] =	dma.local @!p0 [hbm:s6], $0xF7A  }
0x23: {  	s9 =	sor.u32 $0xD0000000, s2;
	s6 =	simm.s32 $0x108;
	_ =	swait.ge @!p0 [sflag:s8], $0x0  }
0x24: {  	s3 =	sadd.s32 $0x88, s3;
	s6 =	simm.s32 @!p1 $0x1082;
	[sflag:s4] =	ssyncset.s32 $0xFFFFF086  }
0x25: {  	[simem:s6], [sflag:s4] =	dma.local [hbm:s3], $0xF7A  }
0x26: {  	[smem:$0x3F8F] =	sst s1;
	(tag) =	ssettag s2;
	_ =	strace s9  }
0x27: {  	s1 =	sld [smem:$0x3F9F]  }
0x28: {  	s2 =	sld [smem:$0x3FA0]  }
0x29: {  	s4 =	sld [smem:$0x3FA2]  }
0x2a: {  	p0 =	seq.s32 s5, $0x0;
	s5 =	sld [smem:$0x3FA3]  }
0x2b: {  	s6 =	sld [smem:$0x3FA4]  }
0x2c: {  	s7 =	sld [smem:$0x3FA5]  }
0x2d: {  	s3 =	simm.s32 $0x108;
	s8 =	sld [smem:$0x3FA6]  }
0x2e: {  	s3 =	simm.s32 @!p0 $0x1082;
	s9 =	sld [smem:$0x3FA7]  }
0x2f: {  	lr =	sadd.s32 s0, s3;
	s0 =	sld [smem:$0x3F9E]  }
0x30: {  	s3 =	sld [smem:$0x3FA1]  }
0x31: {  	[smem:$0x3FAA] =	sst s10  }
0x32: {  	s10 =	sld [smem:$0x3FA8];
	_ =	sdelay $0x3  }
0x33: {  	p0 =	seq.s32 s10, $0x1;
	s10 =	sld [smem:$0x3FAA];
	_ =	sdelay $0x3  }
0x34: {  	[smem:$0x3FAA] =	sst s10  }
0x35: {  	s10 =	sld [smem:$0x3FA9];
	_ =	sdelay $0x3  }
0x36: {  	p1 =	seq.s32 s10, $0x1;
	s10 =	sld [smem:$0x3FAA];
	_ =	sdelay $0x3  }
0x37: {  	[smem:$0x3FAA] =	sst s10  }
0x38: {  	s10 =	sld [smem:$0x3FAB]  }
0x39: {  	_ = 	snop;
	(pc) =	sbr.ind lr, $3  }
0x3a: {  	_ = 	snop  }
0x3b: {  	_ = 	snop  }
0x3c: {  	p2 =	seq.s32 s10, $0x1;
	s10 =	sld [smem:$0x3FAA]  }
0x3d: {  	_ =	shalt  }
0x3e: {  	_ =	shalt  }
0x3f: {  	_ =	shalt  }
0x40: {  	_ =	shalt  }
0x41: {  	_ =	shalt  }
0x42: {  	_ =	shalt  }
0x43: {  	_ =	shalt  }
0x44: {  	_ =	shalt  }
0x45: {  	_ =	shalt  }
0x46: {  	_ =	shalt  }
0x47: {  	_ =	shalt  }
0x48: {  	_ =	shalt  }
0x49: {  	_ =	shalt  }
0x4a: {  	_ =	shalt  }
0x4b: {  	_ =	shalt  }
0x4c: {  	_ =	shalt  }
0x4d: {  	_ =	shalt  }
0x4e: {  	_ =	shalt  }
0x4f: {  	_ =	shalt  }
0x50: {  	_ =	shalt  }
0x51: {  	_ =	shalt  }
0x52: {  	_ =	shalt  }
0x53: {  	_ =	shalt  }
0x54: {  	_ =	shalt  }
0x55: {  	_ =	shalt  }
0x56: {  	_ =	shalt  }
0x57: {  	_ =	shalt  }
0x58: {  	_ =	shalt  }
0x59: {  	_ =	shalt  }
0x5a: {  	_ =	shalt  }
0x5b: {  	_ =	shalt  }
0x5c: {  	_ =	shalt  }
0x5d: {  	_ =	shalt  }
0x5e: {  	_ =	shalt  }
0x5f: {  	_ =	shalt  }
0x60: {  	_ =	shalt  }
0x61: {  	_ =	shalt  }
0x62: {  	_ =	shalt  }
0x63: {  	_ =	shalt  }
0x64: {  	_ =	shalt  }
0x65: {  	_ =	shalt  }
0x66: {  	_ =	shalt  }
0x67: {  	_ =	shalt  }
0x68: {  	_ =	shalt  }
0x69: {  	_ =	shalt  }
0x6a: {  	_ =	shalt  }
0x6b: {  	_ =	shalt  }
0x6c: {  	_ =	shalt  }
0x6d: {  	_ =	shalt  }
0x6e: {  	_ =	shalt  }
0x6f: {  	_ =	shalt  }
0x70: {  	_ =	shalt  }
0x71: {  	_ =	shalt  }
0x72: {  	_ =	shalt  }
0x73: {  	_ =	shalt  }
0x74: {  	_ =	shalt  }
0x75: {  	_ =	shalt  }
0x76: {  	_ =	shalt  }
0x77: {  	_ =	shalt  }
0x78: {  	_ =	shalt  }
0x79: {  	_ =	shalt  }
0x7a: {  	_ =	shalt  }
0x7b: {  	_ =	shalt  }
0x7c: {  	_ =	shalt  }
0x7d: {  	_ =	shalt  }
0x7e: {  	_ =	shalt  }
0x7f: {  	_ =	shalt  }
0x80: {  	_ =	shalt  }
0x81: {  	_ =	shalt  }
0x82: {  	_ =	shalt  }
0x83: {  	_ =	shalt  }
0x84: {  	_ =	shalt  }
0x85: {  	_ =	shalt  }
0x86: {  	_ =	shalt  }
0x87: {  	_ =	shalt  }
.Lfunc_end0:
.L_simem_size_0:
called_computation_lowered:
.L_overlay_start_0:
0x88: {  	s2 =	sld [smem:$0x3FD9]  }
0x89: {  	s3 =	sld [smem:$0x3FFE];
	_ =	sdelay $0x1  }
0x8a: {  	s1 =	srdreg.scid  }
0x8b: {  	s0 =	sand.u32 $0x1, s1  }
0x8c: {  	s16 =	sshll.u32 s0, $0xA;
	s2 =	sadd.s32 s3, s2  }
0x8d: {  	s2 =	sadd.s32 s2, s16  }
0x8e: {  	[smem:$0x3FB6] =	sst s2  }
0x8f: {  	_ = 	snop  }
0x90: {  	(tm) =	ssettm $0x1  }
0x91: {  	s17 =	sld [smem:$0x3FFB];
	_ =	sdelay $0x3  }
0x92: {  	_ =	strace s17  }
0x93: {  	s2 =	sld [smem:$0x3FFC];
	_ =	sdelay $0x3  }
0x94: {  	_ =	strace s2  }
0x95: {  	s2 =	sld [smem:$0x3FFD];
	_ =	sdelay $0x3  }
0x96: {  	_ =	strace s2  }
0x97: {  	_ =	strace $0x8FFFFFFF  }
0x98: {  	s18 =	sld [smem:$0x3FDB];
	_ =	sdelay $0x1  }
0x99: {  	s19 =	simm.s32 $_scs_section_size  }
0x9a: {  	s4 =	simm.s32 $_size__tile_overlayer_lowered;
	s5 =	simm.s32 $_tile_overlayer_lowered  }
0x9b: {  	s22 =	simm.s32 $0x1BFF;
	s21 =	sshll.u32 s5, $0x1;
	s2 =	sadd.s32 s19, s18  }
0x9c: {  	s6 =	simm.s32 $0x0;
	s20 =	sshll.u32 s4, $0x1;
	s4 =	sadd.s32 s21, s2  }
0x9d: {  	[timem:s6], [sflag:s22] =	dma.local [hbm:s4], s20  }
0x9e: {  	_ =	swait.ge [sflag:s22], s20  }
0x9f: {  	s3 =	ssub.s32 $0x0, s20;
	[sflag:s22] =	ssyncset.done $0x0  }
0xa0: {  	[sflag:s22] =	ssyncadd.s32 s3;
	_ =	sdelay $0x1  }
0xa1: {  	s23 =	simm.s32 $0x1B8B  }
0xa2: {  	_ =	swait.ge [sflag:s23], $0x1  }
0xa3: {  	[sflag:s23] =	ssyncset.done $0x0  }
0xa4: {  	s25 =	simm.s32 $0x1B8E;
	s24 =	sld [smem:$0x3FFE];
	[sflag:s23] =	ssyncadd.s32 $0xFFFFFFFF  }
0xa5: {  	s26 =	simm.s32 $execute0_lowered;
	[smem:$0x3FD2] =	sst s25  }
0xa6: {  	s4 =	sshll.u32 s26, $0x1;
	_ =	strace $0x80000046;
	[dreg:$0x1] =	wrdreg $0xFFFFFFFF  }
0xa7: {  	s28 =	simm.s32 $_size_execute0_lowered;
	s2 =	sadd.s32 s2, s4;
	[dreg:$0x0] =	wrdreg $0x0  }
0xa8: {  	s4 =	sshll.u32 s28, $0x1;
	[dreg:$0x2] =	wrdreg s2  }
0xa9: {  	[dreg:$0x3] =	wrdreg s4  }
0xaa: {  	[dreg:$0x4] =	wrdreg $0xC0  }
0xab: {  	_ =	task [dreg:s6], $0x5FFFF  }
0xac: {  	[dreg:$0x1] =	wrdreg $0xFFFFFFFF  }
0xad: {  	[dreg:$0x0] =	wrdreg $0x60  }
0xae: {  	[dreg:$0x2] =	wrdreg s24  }
0xaf: {  	[dreg:$0x3] =	wrdreg $0x9  }
0xb0: {  	_ =	task.clear_ibuf [dreg:s6], $0x4FFFF;
	_ =	strace $0x90000046  }
0xb1: {  	s29 =	simm.s32 $0x9;
	_ =	strace $0x80000048  }
0xb2: {  	_ =	swait.ge [sflag:s29], $0x1  }
0xb3: {  	[sflag:s29] =	ssyncadd.s32 $0xFFFFFFFF  }
0xb4: {  	_ =	strace $0x90000048  }
0xb5: {  	_ =	sfence  }
0xb6: {  	s30 =	sld [smem:$0x0];
	_ =	sdelay $0x2  }
0xb7: {  	s31 =	sshll.u32 s1, $0xD;
	s1 =	sshrl.u32 s1, $0x2  }
0xb8: {  	s3 =	sand.u32 $0x4000, s31;
	s1 =	sadd.s32 s1, s30  }
0xb9: {  	s0 =	sor.u32 s3, s0;
	s1 =	sshll.u32 s1, $0x11  }
0xba: {  	s0 =	sor.u32 s1, s0  }
0xbb: {  	s0 =	sadd.s32 $0x8F2B, s0  }
0xbc: {  	[sflag:s0] =	ssyncadd.remote.s32 $0x1  }
0xbd: {  	_ =	sfence.sel $0xFFFF  }
0xbe: {  	[dreg:$0x0] =	wrdreg $0xFFFFFFFF;
	(pc) =	sbr.abs _section_cstart, $3  }
0xbf: {  	[dreg:$0x1] =	wrdreg $0xFFFFFFFF  }
0xc0: {  	_ =	task.clear_ibuf [dreg:s6], $0x2FFFF;
	_ =	strace $0x9FFFFFFF  }
0xc1: {  	(tm) =	ssettm $0x7FFFFFFF  }
tec
execute0_lowered:
.L_overlay_start_1:
0x0: {  	(tag) =	ssettag $0x1  }
0x1: {  	s0 =	srdreg.scid  }
0x2: {  	s3 =	sand.u32 $0x1, s0;
	s0 =	stileid.u32  }
0x3: {  	s2 =	sshll.u32 s0, $0x1;
	s4 =	ssub.s32 $0x0, s3  }
0x4: {  	p0 =	sne.s32 s2, s4  }
.Ltmp0:
0x5: {  	_ = 	snop;
	(pc) =	sbr.rel @p0 .LBB2_4-.Ltmp0, $3  }
0x6: {  	_ =	sdelay $0x1  }
0x7: {  	s5 =	rddreg [dreg:$0x0]  }
0x8: {  	s1 =	rddreg [dreg:$0x1];
	_ =	strace $0x80000047  }
0x9: {  	s2 =	sadd.s32 $0x2800, s5;
	s6 =	ssub.s32 $0x2, s3;
	s4 =	simm.s32 $0x0  }
0xa: {  	[tilespmem:s4], [sflag:$0x1] =	stream.linear.gather [hbm4b:s2+s4], $0xA80, $0x38;
	[tilespmem:$0xC00] =	vst v63  }
0xb: {  	s7 =	sshrl.u32 s6, $0x1  }
0xc: {  	s6 =	ssub.s32 s6, s7  }
0xd: {  	s3 =	simm.s32 $0x1;
	s6 =	smax.u32 s6, $0x1  }
0xe: {  	_ =	swait.ge [sflag:s3], $0xA80;
	p0 =	sne.s32 s6, $0x1  }
.Ltmp1:
0xf: {  	[sflag:s3] =	ssyncset.done $0x0;
	(pc) =	sbr.rel @!p0 .LBB2_3-.Ltmp1, $4  }
0x10: {  	s5 =	sadd.s32 $0x62800, s5;
	[sflag:s3] =	ssyncadd.s32 $0xFFFFF580  }
0x11: {  	[hbm4b:s5+s4] =	stream.linear.scatter [tilespmem:s4], [sflag:$0x1], $0xA80, $0x38;
	[tilespmem:$0xC00] =	vst v63  }
0x12: {  	_ =	swait.ge [sflag:s3], $0xA80  }
0x13: {  	s6 =	sadd.s32 $0xFFFFFFFF, s6;
	[sflag:s3] =	ssyncset.done $0x0  }
.LBB2_2:
0x14: {  	p0 =	sne.s32 s6, $0x1;
	s6 =	sadd.s32 $0xFFFFFFFF, s6;
	[sflag:s3] =	ssyncadd.s32 $0xFFFFF580  }
0x15: {  	[tilespmem:s4], [sflag:$0x1] =	stream.linear.gather [hbm4b:s2+s4], $0xA80, $0x38;
	[tilespmem:$0xC00] =	vst v63  }
0x16: {  	_ =	swait.ge [sflag:s3], $0xA80  }
.Ltmp2:
0x17: {  	[sflag:s3] =	ssyncset.done $0x0;
	(pc) =	sbr.rel @p0 .LBB2_2-.Ltmp2, $4  }
0x18: {  	[sflag:s3] =	ssyncadd.s32 $0xFFFFF580  }
0x19: {  	[hbm4b:s5+s4] =	stream.linear.scatter [tilespmem:s4], [sflag:$0x1], $0xA80, $0x38;
	[tilespmem:$0xC00] =	vst v63  }
0x1a: {  	_ =	swait.ge [sflag:s3], $0xA80  }
0x1b: {  	[sflag:s3] =	ssyncset.done $0x0  }
.LBB2_3:
0x1c: {  	[sflag:s3] =	ssyncadd.s32 $0xFFFFF580  }
.LBB2_4:
0x1d: {  	_ =	sfence.sel $0x180000  }
0x1e: {  	[bflag:$0x0] =	sbarrier.arrive $0xFFFF  }
0x1f: {  	p0 =	sne.s32 s0, $0x0;
	_ =	strace $0x90000047  }
0x20: {  	s0 =	sadd.s32 @!p0 $0x100000, s1;
	[bflag:$0x2] =	sbarrier.arrive $0xFFFF  }
0x21: {  	[sflag:s0] =	ssyncadd.tile.s32 @!p0 $0x1;
	_ =	shalt  }
.Lfunc_end2:
_tile_overlayer_lowered:
.L_overlay_start_2:
0x22: {  	(tag) =	ssettag $0x2  }
0x23: {  	s0 =	rddreg [dreg:$0x0];
	s2 =	stileid.u32  }
0x24: {  	s1 =	rddreg [dreg:$0x1];
	p0 =	sne.s32 s2, $0x0  }
0x25: {  	s3 =	rddreg [dreg:$0x2];
	[bflag:$0x3] =	sbarrier.arrive $0xFFFF;
	s2 =	simm.s32 @!p0 $0x1C01  }
0x26: {  	[timem:s3], [sflag:s2] =	dma.local @!p0 [hbm:s0], s1  }
0x27: {  	s0 =	simm.s32 @!p0 $0x1  }
0x28: {  	_ =	swait.ge @!p0 [sflag:s0], s1  }
0x29: {  	s1 =	ssub.s32 @!p0 $0x0, s1;
	[sflag:s0] =	ssyncset.done @!p0 $0x0  }
0x2a: {  	[sflag:s0] =	ssyncadd.s32 @!p0 s1  }
0x2b: {  	[bflag:$0x3] =	sbarrier.arrive $0xFFFF  }
0x2c: {  	_ =	shalt  }

</sc_bundles>
